<compile_context>
chip_gen: v7x
topology: tpu7x:2x2x1
jax: 0.10.2.dev20260603
libtpu: 0.0.44.dev20260713+nightly
codegen_flags: <defaults>
</compile_context>

<pallas_src>
import functools

import jax
import jax.numpy as jnp
from jax import lax
from jax.experimental import pallas as pl
from jax.experimental.pallas import tpu as pltpu
from jax.experimental.pallas import tpu_sc as plsc

B = 4096
D_IN = 1024
D_LAT = 256
K = 8192
BB = 256


def _dot(a, b, dims=(((1,), (0,)), ((), ())), prec=None):
    return lax.dot_general(a, b, dims, precision=prec,
                           preferred_element_type=jnp.float32)


def _enc_dist_body(a_ref, w1_ref, b1_ref, w2_ref, b2_ref, w3_ref, b3_ref,
                   emb_ref, z_ref, idx_ref, e2_ref, ii_ref):
    @pl.when(pl.program_id(0) == 0)
    def _():
        e = emb_ref[...]
        e2_ref[...] = _dot(jnp.ones((1, D_LAT), jnp.float32), e * e,
                           dims=(((1,), (1,)), ((), ())),
                           prec=lax.Precision.HIGHEST)
        ii_ref[...] = lax.broadcasted_iota(jnp.int32, (1, K), 1).astype(
            jnp.float32)

    h = jnp.tanh(_dot(a_ref[...], w1_ref[...]) + b1_ref[...])
    h = jnp.tanh(_dot(h, w2_ref[...]) + b2_ref[...])
    zb = _dot(h, w3_ref[...]) + b3_ref[...]
    z_ref[...] = zb

    s = _dot(zb, emb_ref[...], dims=(((1,), (1,)), ((), ())))
    z2 = jnp.sum(zb * zb, axis=1, keepdims=True)
    d = (z2 - 2.0 * s) + e2_ref[...]
    m = jnp.min(d, axis=1, keepdims=True)
    idx_f = jnp.min(jnp.where(d == m, ii_ref[...], jnp.float32(K)), axis=1)
    idx_ref[...] = idx_f.astype(jnp.int32).reshape(1, 1, BB)


def _enc_dist(action, w1, b1, w2, b2, w3, b3, emb):
    z, idx = pl.pallas_call(
        _enc_dist_body,
        grid=(B // BB,),
        in_specs=[
            pl.BlockSpec((BB, D_IN), lambda i: (i, 0)),
            pl.BlockSpec((D_IN, 2048), lambda i: (0, 0)),
            pl.BlockSpec((1, 2048), lambda i: (0, 0)),
            pl.BlockSpec((2048, 1024), lambda i: (0, 0)),
            pl.BlockSpec((1, 1024), lambda i: (0, 0)),
            pl.BlockSpec((1024, D_LAT), lambda i: (0, 0)),
            pl.BlockSpec((1, D_LAT), lambda i: (0, 0)),
            pl.BlockSpec((K, D_LAT), lambda i: (0, 0)),
        ],
        out_specs=[
            pl.BlockSpec((BB, D_LAT), lambda i: (i, 0)),
            pl.BlockSpec((1, 1, BB), lambda i: (i, 0, 0)),
        ],
        out_shape=[
            jax.ShapeDtypeStruct((B, D_LAT), jnp.float32),
            jax.ShapeDtypeStruct((B // BB, 1, BB), jnp.int32),
        ],
        scratch_shapes=[pltpu.VMEM((1, K), jnp.float32),
                        pltpu.VMEM((1, K), jnp.float32)],
    )(action, w1, b1.reshape(1, -1), w2, b2.reshape(1, -1), w3,
      b3.reshape(1, -1), emb)
    return z, idx.reshape(B)


def _make_sc_gather():
    info = plsc.get_sparse_core_info()
    nc, ns = info.num_cores, info.num_subcores
    bw = B // (nc * ns)

    @functools.partial(
        pl.kernel,
        mesh=plsc.VectorSubcoreMesh(core_axis_name="c", subcore_axis_name="s"),
        out_type=jax.ShapeDtypeStruct((B, D_LAT), jnp.float32),
        scratch_types=[
            pltpu.VMEM((bw,), jnp.int32),
            pltpu.VMEM((bw, D_LAT), jnp.float32),
            pltpu.SemaphoreType.DMA,
        ],
    )
    def gather_k(emb_hbm, idx_hbm, out_hbm, idx_v, rows_v, sem):
        wid = lax.axis_index("s") * nc + lax.axis_index("c")
        base = wid * bw
        pltpu.sync_copy(idx_hbm.at[pl.ds(base, bw)], idx_v)
        pltpu.async_copy(emb_hbm.at[idx_v], rows_v, sem).wait()
        pltpu.sync_copy(rows_v, out_hbm.at[pl.ds(base, bw)])

    return gather_k


def _dec_body(z_ref, q_ref, w1_ref, b1_ref, w2_ref, b2_ref, w3_ref, b3_ref,
              recon_ref, acc_ref):
    zb = z_ref[...]
    qb = q_ref[...]

    @pl.when(pl.program_id(0) == 0)
    def _():
        acc_ref[...] = jnp.zeros_like(acc_ref)

    dz = zb - qb
    acc_ref[...] += jnp.sum(dz * dz).reshape(1, 1)

    h = jnp.tanh(_dot(qb, w1_ref[...]) + b1_ref[...])
    h = jnp.tanh(_dot(h, w2_ref[...]) + b2_ref[...])
    recon_ref[...] = _dot(h, w3_ref[...]) + b3_ref[...]


def _decode(z, q, w1, b1, w2, b2, w3, b3):
    recon, acc = pl.pallas_call(
        _dec_body,
        grid=(B // BB,),
        in_specs=[
            pl.BlockSpec((BB, D_LAT), lambda i: (i, 0)),
            pl.BlockSpec((BB, D_LAT), lambda i: (i, 0)),
            pl.BlockSpec((D_LAT, 1024), lambda i: (0, 0)),
            pl.BlockSpec((1, 1024), lambda i: (0, 0)),
            pl.BlockSpec((1024, 2048), lambda i: (0, 0)),
            pl.BlockSpec((1, 2048), lambda i: (0, 0)),
            pl.BlockSpec((2048, D_IN), lambda i: (0, 0)),
            pl.BlockSpec((1, D_IN), lambda i: (0, 0)),
        ],
        out_specs=[
            pl.BlockSpec((BB, D_IN), lambda i: (i, 0)),
            pl.BlockSpec((1, 1), lambda i: (0, 0)),
        ],
        out_shape=[
            jax.ShapeDtypeStruct((B, D_IN), jnp.float32),
            jax.ShapeDtypeStruct((1, 1), jnp.float32),
        ],
    )(z, q, w1, b1.reshape(1, -1), w2, b2.reshape(1, -1), w3,
      b3.reshape(1, -1))
    return recon, acc


def kernel(state, action, enc_w1, enc_b1, enc_w2, enc_b2, enc_w3, enc_b3, emb,
           dec_w1, dec_b1, dec_w2, dec_b2, dec_w3, dec_b3):
    z, idx = _enc_dist(action, enc_w1, enc_b1, enc_w2, enc_b2, enc_w3, enc_b3,
                       emb)
    q_st = _make_sc_gather()(emb, idx)
    recon, acc = _decode(z, q_st, dec_w1, dec_b1, dec_w2, dec_b2, dec_w3,
                         dec_b3)
    mean_sq = acc[0, 0] / (B * D_LAT)
    vq_loss = 0.25 * mean_sq + mean_sq
    return recon, z, q_st, vq_loss

# --- scband reference (transcript-rebuilt; emitter-appended) ---
"""Pipeline reference for scband-vqvae-2379411882289 (READ-ONLY COPY).

The authoritative reference and input builder live on the scoring server;
editing this copy changes nothing except your own understanding.
"""

import jax, jax.numpy as jnp
import numpy as np

B = 4096
D_IN = 1024
D_LAT = 256
K = 8192
COMMIT = 0.25


def _init_lin(k, fan_in, fan_out):
    lim = 1.0 / np.sqrt(fan_in)
    kw, kb = jax.random.split(k)
    W = jax.random.uniform(kw, (fan_in, fan_out), minval=-lim, maxval=lim, dtype=jnp.float32)
    b = jax.random.uniform(kb, (fan_out,), minval=-lim, maxval=lim, dtype=jnp.float32)
    return W, b


def setup_inputs(seed: int = 0) -> dict:
    key = jax.random.key(seed)
    ks = jax.random.split(key, 10)
    state = jax.random.normal(ks[0], (B, 32), dtype=jnp.float32)
    action = jax.random.normal(ks[1], (B, D_IN), dtype=jnp.float32)
    enc_w1, enc_b1 = _init_lin(ks[2], D_IN, 2048)
    enc_w2, enc_b2 = _init_lin(ks[3], 2048, 1024)
    enc_w3, enc_b3 = _init_lin(ks[4], 1024, D_LAT)
    emb = jax.random.uniform(ks[5], (K, D_LAT), minval=-1.0 / K, maxval=1.0 / K, dtype=jnp.float32)
    dec_w1, dec_b1 = _init_lin(ks[6], D_LAT, 1024)
    dec_w2, dec_b2 = _init_lin(ks[7], 1024, 2048)
    dec_w3, dec_b3 = _init_lin(ks[8], 2048, D_IN)
    return {
        'state': state, 'action': action,
        'enc_w1': enc_w1, 'enc_b1': enc_b1,
        'enc_w2': enc_w2, 'enc_b2': enc_b2,
        'enc_w3': enc_w3, 'enc_b3': enc_b3,
        'emb': emb,
        'dec_w1': dec_w1, 'dec_b1': dec_b1,
        'dec_w2': dec_w2, 'dec_b2': dec_b2,
        'dec_w3': dec_w3, 'dec_b3': dec_b3,
    }


def reference(state, action, enc_w1, enc_b1, enc_w2, enc_b2, enc_w3, enc_b3, emb,
              dec_w1, dec_b1, dec_w2, dec_b2, dec_w3, dec_b3):
    # Encoder (state is ignored by the original Encoder.forward)
    h = jnp.tanh(action @ enc_w1 + enc_b1)
    h = jnp.tanh(h @ enc_w2 + enc_b2)
    z = h @ enc_w3 + enc_b3

    # Quantized decoder
    flat_z = z.reshape(-1, D_LAT)
    distances = (jnp.sum(flat_z ** 2, axis=1, keepdims=True)
                 - 2.0 * (flat_z @ emb.T)
                 + jnp.sum(emb ** 2, axis=1))
    indices = jnp.argmin(distances, axis=1)
    one_hot = jax.nn.one_hot(indices, K, dtype=jnp.float32)
    quantized = (one_hot @ emb).reshape(z.shape)

    commitment_loss = COMMIT * jnp.mean((jax.lax.stop_gradient(z) - quantized) ** 2)
    embedding_loss = jnp.mean((z - jax.lax.stop_gradient(quantized)) ** 2)
    vq_loss = commitment_loss + embedding_loss

    q_st = z + jax.lax.stop_gradient(quantized - z)

    d = jnp.tanh(q_st @ dec_w1 + dec_b1)
    d = jnp.tanh(d @ dec_w2 + dec_b2)
    recon = d @ dec_w3 + dec_b3
    return (recon, z, q_st, vq_loss)

if __name__ == "__main__":
    import jax
    _d = setup_inputs()
    print(jax.jit(kernel)(*tuple(_d.values())))

</pallas_src>

<mosaic_0001>
#map = affine_map<(d0, d1) -> (0, 0)>
#map1 = affine_map<(d0, d1) -> (0)>
module attributes {stable_mosaic.version = 14 : i64} {
  func.func @gather_k(%arg0: i32, %arg1: i32, %arg2: memref<8192x256xf32, #tpu.memory_space<hbm>>, %arg3: memref<4096xi32, #tpu.memory_space<hbm>>, %arg4: memref<4096x256xf32, #tpu.memory_space<hbm>>, %arg5: memref<128xi32, #tpu.memory_space<vmem>>, %arg6: memref<128x256xf32, #tpu.memory_space<vmem>>, %arg7: memref<!tpu.dma_semaphore, #tpu.memory_space<semaphore_mem>>) attributes {dimension_semantics = [#tpu.dimension_semantics<core_parallel>, #tpu.dimension_semantics<subcore_parallel>], iteration_bounds = array<i64: 2, 16>, scalar_prefetch = 0 : i64, scratch_operands = 3 : i64, tpu.core_type = #tpu.core_type<sc_vector_subcore>, window_params = [{transform_indices = #map}, {transform_indices = #map1}, {transform_indices = #map}]} {
    %mul3A = arith.constant 2 : i32
    %mul3A_0 = arith.muli %arg1, %mul3A : i32
    %add3A = arith.addi %mul3A_0, %arg0 : i32
    %mul3A_1 = arith.constant 128 : i32
    %mul3A_2 = arith.muli %add3A, %mul3A_1 : i32
    "tpu.region"() ({
      %run_scoped3A = tpu.sem_alloc : memref<!tpu.dma_semaphore, #tpu.memory_space<semaphore_mem>>
      %dma_start3A_7 = tpu.memref_slice %arg3[%mul3A_2] : memref<4096xi32, #tpu.memory_space<hbm>> -> memref<128xi32, #tpu.memory_space<hbm>>
      %dma_start3A_8 = tpu.memref_slice %arg3[%mul3A_2] : memref<4096xi32, #tpu.memory_space<hbm>> -> memref<128xi32, #tpu.memory_space<hbm>>
      tpu.enqueue_dma source(%dma_start3A_8 : memref<128xi32, #tpu.memory_space<hbm>>) target(%arg5 : memref<128xi32, #tpu.memory_space<vmem>>) target_semaphore(%run_scoped3A : memref<!tpu.dma_semaphore, #tpu.memory_space<semaphore_mem>>)
      %dma_wait3A_9 = tpu.memref_slice %arg3[%mul3A_2] : memref<4096xi32, #tpu.memory_space<hbm>> -> memref<128xi32, #tpu.memory_space<hbm>>
      %dma_wait3A_10 = tpu.memref_slice %arg3[%mul3A_2] : memref<4096xi32, #tpu.memory_space<hbm>> -> memref<128xi32, #tpu.memory_space<hbm>>
      tpu.wait_dma2 semaphore(%run_scoped3A : memref<!tpu.dma_semaphore, #tpu.memory_space<semaphore_mem>>) src(%dma_wait3A_10 : memref<128xi32, #tpu.memory_space<hbm>>) dst(%arg5 : memref<128xi32, #tpu.memory_space<vmem>>)
      tpu.yield
    }) : () -> ()
    %dma_start3A = arith.constant 0 : i32
    %dma_start3A_3 = arith.constant 0 : i32
    %dma_start3A_4 = tpu.memref_slice %arg2[%dma_start3A, %dma_start3A_3] : memref<8192x256xf32, #tpu.memory_space<hbm>> -> memref<8192x256xf32, #tpu.memory_space<hbm>>
    tpu.enqueue_indirect_dma source(%dma_start3A_4 : memref<8192x256xf32, #tpu.memory_space<hbm>>) target(%arg6 : memref<128x256xf32, #tpu.memory_space<vmem>>) offsets(%arg5 : memref<128xi32, #tpu.memory_space<vmem>>) semaphore(%arg7 : memref<!tpu.dma_semaphore, #tpu.memory_space<semaphore_mem>>)
    %dma_wait3A = arith.constant 0 : i32
    %dma_wait3A_5 = arith.constant 0 : i32
    %dma_wait3A_6 = tpu.memref_slice %arg2[%dma_wait3A, %dma_wait3A_5] : memref<8192x256xf32, #tpu.memory_space<hbm>> -> memref<8192x256xf32, #tpu.memory_space<hbm>>
    tpu.wait_indirect_dma semaphore(%arg7 : memref<!tpu.dma_semaphore, #tpu.memory_space<semaphore_mem>>) src(%dma_wait3A_6 : memref<8192x256xf32, #tpu.memory_space<hbm>>) dst(%arg6 : memref<128x256xf32, #tpu.memory_space<vmem>>)
    "tpu.region"() ({
      %run_scoped3A = tpu.sem_alloc : memref<!tpu.dma_semaphore, #tpu.memory_space<semaphore_mem>>
      %dma_start3A_7 = arith.constant 0 : i32
      %dma_start3A_8 = tpu.memref_slice %arg4[%mul3A_2, %dma_start3A_7] : memref<4096x256xf32, #tpu.memory_space<hbm>> -> memref<128x256xf32, #tpu.memory_space<hbm>>
      %dma_start3A_9 = arith.constant 0 : i32
      %dma_start3A_10 = tpu.memref_slice %arg4[%mul3A_2, %dma_start3A_9] : memref<4096x256xf32, #tpu.memory_space<hbm>> -> memref<128x256xf32, #tpu.memory_space<hbm>>
      tpu.enqueue_dma source(%arg6 : memref<128x256xf32, #tpu.memory_space<vmem>>) target(%dma_start3A_10 : memref<128x256xf32, #tpu.memory_space<hbm>>) target_semaphore(%run_scoped3A : memref<!tpu.dma_semaphore, #tpu.memory_space<semaphore_mem>>)
      %dma_wait3A_11 = arith.constant 0 : i32
      %dma_wait3A_12 = tpu.memref_slice %arg4[%mul3A_2, %dma_wait3A_11] : memref<4096x256xf32, #tpu.memory_space<hbm>> -> memref<128x256xf32, #tpu.memory_space<hbm>>
      %dma_wait3A_13 = arith.constant 0 : i32
      %dma_wait3A_14 = tpu.memref_slice %arg4[%mul3A_2, %dma_wait3A_13] : memref<4096x256xf32, #tpu.memory_space<hbm>> -> memref<128x256xf32, #tpu.memory_space<hbm>>
      tpu.wait_dma2 semaphore(%run_scoped3A : memref<!tpu.dma_semaphore, #tpu.memory_space<semaphore_mem>>) src(%arg6 : memref<128x256xf32, #tpu.memory_space<vmem>>) dst(%dma_wait3A_14 : memref<128x256xf32, #tpu.memory_space<hbm>>)
      tpu.yield
    }) : () -> ()
    return
  }
}

module attributes {stable_mosaic.version = 14 : i64} {
  func.func @_enc_dist_body(%arg0: i32, %arg1: memref<256x1024xf32, #tpu.memory_space<vmem>>, %arg2: memref<1024x2048xf32, #tpu.memory_space<vmem>>, %arg3: memref<1x2048xf32, #tpu.memory_space<vmem>>, %arg4: memref<2048x1024xf32, #tpu.memory_space<vmem>>, %arg5: memref<1x1024xf32, #tpu.memory_space<vmem>>, %arg6: memref<1024x256xf32, #tpu.memory_space<vmem>>, %arg7: memref<1x256xf32, #tpu.memory_space<vmem>>, %arg8: memref<8192x256xf32, #tpu.memory_space<vmem>>, %arg9: memref<256x256xf32, #tpu.memory_space<vmem>>, %arg10: memref<1x1x256xi32, #tpu.memory_space<vmem>>, %arg11: memref<1x8192xf32, #tpu.memory_space<vmem>>, %arg12: memref<1x8192xf32, #tpu.memory_space<vmem>>) attributes {dimension_semantics = [#tpu.dimension_semantics<arbitrary>], iteration_bounds = array<i64: 16>, scalar_prefetch = 0 : i64, scratch_operands = 2 : i64, tpu.core_type = #tpu.core_type<tc>, window_params = [{transform_indices = @transform_0, window_bounds = array<i64: 256, 1024>}, {pipeline_mode = #tpu.pipeline_mode<synchronous>, transform_indices = @transform_1, window_bounds = array<i64: 1024, 2048>}, {pipeline_mode = #tpu.pipeline_mode<synchronous>, transform_indices = @transform_2, window_bounds = array<i64: 1, 2048>}, {pipeline_mode = #tpu.pipeline_mode<synchronous>, transform_indices = @transform_3, window_bounds = array<i64: 2048, 1024>}, {pipeline_mode = #tpu.pipeline_mode<synchronous>, transform_indices = @transform_4, window_bounds = array<i64: 1, 1024>}, {pipeline_mode = #tpu.pipeline_mode<synchronous>, transform_indices = @transform_5, window_bounds = array<i64: 1024, 256>}, {pipeline_mode = #tpu.pipeline_mode<synchronous>, transform_indices = @transform_6, window_bounds = array<i64: 1, 256>}, {pipeline_mode = #tpu.pipeline_mode<synchronous>, transform_indices = @transform_7, window_bounds = array<i64: 8192, 256>}, {transform_indices = @transform_8, window_bounds = array<i64: 256, 256>}, {transform_indices = @transform_9, window_bounds = array<i64: 1, 1, 256>}]} {
    %eq3A = arith.constant 0 : i32
    %eq3A_0 = arith.cmpi eq, %arg0, %eq3A : i32
    %convert_element_type3A = arith.extui %eq3A_0 : i1 to i32
    %cond3A = arith.constant 0 : i32
    %cond3A_1 = arith.cmpi ne, %convert_element_type3A, %cond3A : i32
    scf.if %cond3A_1 {
      %get3A_67 = arith.constant 0 : index
      %get3A_68 = arith.constant 0 : index
      %get3A_69 = vector.load %arg8[%get3A_67, %get3A_68] : memref<8192x256xf32, #tpu.memory_space<vmem>>, vector<8192x256xf32>
      %broadcast_in_dim3A_70 = arith.constant 1.000000e+00 : f32
      %broadcast_in_dim3A_71 = vector.broadcast %broadcast_in_dim3A_70 : f32 to vector<1x256xf32>
      %mul3A_72 = arith.mulf %get3A_69, %get3A_69 : vector<8192x256xf32>
      %dot_general3A_73 = arith.constant dense<0.000000e+00> : vector<1x8192xf32>
      %dot_general3A_74 = tpu.matmul %broadcast_in_dim3A_71, %mul3A_72, %dot_general3A_73 {dimension_numbers = #tpu.dot_dimension_numbers<[1], [1], [0], [0], [0, 0, 1, 0], [], []>, precision = #tpu.contract_precision<fp32>, transpose_lhs_hint = false} : vector<1x256xf32>, vector<8192x256xf32>, vector<1x8192xf32> -> vector<1x8192xf32>
      %swap3A_75 = arith.constant 0 : index
      %swap3A_76 = arith.constant 0 : index
      %swap3A_77 = vector.load %arg11[%swap3A_75, %swap3A_76] : memref<1x8192xf32, #tpu.memory_space<vmem>>, vector<1x8192xf32>
      tpu.vector_store %arg11[%swap3A_75, %swap3A_76], %dot_general3A_74 {strides = array<i32>} : memref<1x8192xf32, #tpu.memory_space<vmem>>, vector<1x8192xf32>,
      %iota3A = tpu.iota {dimensions = array<i32: 1>} : vector<1x8192xi32>
      %convert_element_type3A_78 = arith.sitofp %iota3A : vector<1x8192xi32> to vector<1x8192xf32>
      %swap3A_79 = arith.constant 0 : index
      %swap3A_80 = arith.constant 0 : index
      %swap3A_81 = vector.load %arg12[%swap3A_79, %swap3A_80] : memref<1x8192xf32, #tpu.memory_space<vmem>>, vector<1x8192xf32>
      tpu.vector_store %arg12[%swap3A_79, %swap3A_80], %convert_element_type3A_78 {strides = array<i32>} : memref<1x8192xf32, #tpu.memory_space<vmem>>, vector<1x8192xf32>,
    } else {
    }
    %get3A = arith.constant 0 : index
    %get3A_2 = arith.constant 0 : index
    %get3A_3 = vector.load %arg1[%get3A, %get3A_2] : memref<256x1024xf32, #tpu.memory_space<vmem>>, vector<256x1024xf32>
    %get3A_4 = arith.constant 0 : index
    %get3A_5 = arith.constant 0 : index
    %get3A_6 = vector.load %arg2[%get3A_4, %get3A_5] : memref<1024x2048xf32, #tpu.memory_space<vmem>>, vector<1024x2048xf32>
    %dot_general3A = arith.constant dense<0.000000e+00> : vector<256x2048xf32>
    %dot_general3A_7 = tpu.matmul %get3A_3, %get3A_6, %dot_general3A {dimension_numbers = #tpu.dot_dimension_numbers<[1], [0], [0], [1], [0, 0, 1, 1], [], []>, transpose_lhs_hint = false} : vector<256x1024xf32>, vector<1024x2048xf32>, vector<256x2048xf32> -> vector<256x2048xf32>
    %get3A_8 = arith.constant 0 : index
    %get3A_9 = arith.constant 0 : index
    %get3A_10 = vector.load %arg3[%get3A_8, %get3A_9] : memref<1x2048xf32, #tpu.memory_space<vmem>>, vector<1x2048xf32>
    %add3A = vector.broadcast %get3A_10 : vector<1x2048xf32> to vector<256x2048xf32>
    %add3A_11 = arith.addf %dot_general3A_7, %add3A : vector<256x2048xf32>
    %tanh3A = math.tanh %add3A_11 : vector<256x2048xf32>
    %get3A_12 = arith.constant 0 : index
    %get3A_13 = arith.constant 0 : index
    %get3A_14 = vector.load %arg4[%get3A_12, %get3A_13] : memref<2048x1024xf32, #tpu.memory_space<vmem>>, vector<2048x1024xf32>
    %dot_general3A_15 = arith.constant dense<0.000000e+00> : vector<256x1024xf32>
    %dot_general3A_16 = tpu.matmul %tanh3A, %get3A_14, %dot_general3A_15 {dimension_numbers = #tpu.dot_dimension_numbers<[1], [0], [0], [1], [0, 0, 1, 1], [], []>, transpose_lhs_hint = false} : vector<256x2048xf32>, vector<2048x1024xf32>, vector<256x1024xf32> -> vector<256x1024xf32>
    %get3A_17 = arith.constant 0 : index
    %get3A_18 = arith.constant 0 : index
    %get3A_19 = vector.load %arg5[%get3A_17, %get3A_18] : memref<1x1024xf32, #tpu.memory_space<vmem>>, vector<1x1024xf32>
    %add3A_20 = vector.broadcast %get3A_19 : vector<1x1024xf32> to vector<256x1024xf32>
    %add3A_21 = arith.addf %dot_general3A_16, %add3A_20 : vector<256x1024xf32>
    %tanh3A_22 = math.tanh %add3A_21 : vector<256x1024xf32>
    %get3A_23 = arith.constant 0 : index
    %get3A_24 = arith.constant 0 : index
    %get3A_25 = vector.load %arg6[%get3A_23, %get3A_24] : memref<1024x256xf32, #tpu.memory_space<vmem>>, vector<1024x256xf32>
    %dot_general3A_26 = arith.constant dense<0.000000e+00> : vector<256x256xf32>
    %dot_general3A_27 = tpu.matmul %tanh3A_22, %get3A_25, %dot_general3A_26 {dimension_numbers = #tpu.dot_dimension_numbers<[1], [0], [0], [1], [0, 0, 1, 1], [], []>, transpose_lhs_hint = false} : vector<256x1024xf32>, vector<1024x256xf32>, vector<256x256xf32> -> vector<256x256xf32>
    %get3A_28 = arith.constant 0 : index
    %get3A_29 = arith.constant 0 : index
    %get3A_30 = vector.load %arg7[%get3A_28, %get3A_29] : memref<1x256xf32, #tpu.memory_space<vmem>>, vector<1x256xf32>
    %add3A_31 = vector.broadcast %get3A_30 : vector<1x256xf32> to vector<256x256xf32>
    %add3A_32 = arith.addf %dot_general3A_27, %add3A_31 : vector<256x256xf32>
    %swap3A = arith.constant 0 : index
    %swap3A_33 = arith.constant 0 : index
    %swap3A_34 = vector.load %arg9[%swap3A, %swap3A_33] : memref<256x256xf32, #tpu.memory_space<vmem>>, vector<256x256xf32>
    tpu.vector_store %arg9[%swap3A, %swap3A_33], %add3A_32 {strides = array<i32>} : memref<256x256xf32, #tpu.memory_space<vmem>>, vector<256x256xf32>,
    %get3A_35 = arith.constant 0 : index
    %get3A_36 = arith.constant 0 : index
    %get3A_37 = vector.load %arg8[%get3A_35, %get3A_36] : memref<8192x256xf32, #tpu.memory_space<vmem>>, vector<8192x256xf32>
    %dot_general3A_38 = arith.constant dense<0.000000e+00> : vector<256x8192xf32>
    %dot_general3A_39 = tpu.matmul %add3A_32, %get3A_37, %dot_general3A_38 {dimension_numbers = #tpu.dot_dimension_numbers<[1], [1], [0], [0], [0, 0, 1, 0], [], []>, transpose_lhs_hint = false} : vector<256x256xf32>, vector<8192x256xf32>, vector<256x8192xf32> -> vector<256x8192xf32>
    %mul3A = arith.mulf %add3A_32, %add3A_32 : vector<256x256xf32>
    %reduce_sum3A = arith.constant dense<0.000000e+00> : vector<256xf32>
    %reduce_sum3A_40 = vector.multi_reduction <add>, %mul3A, %reduce_sum3A [1] : vector<256x256xf32> to vector<256xf32>
    %broadcast_in_dim3A = vector.shape_cast %reduce_sum3A_40 : vector<256xf32> to vector<256x1xf32>
    %mul3A_41 = arith.constant 2.000000e+00 : f32
    %mul3A_42 = vector.broadcast %mul3A_41 : f32 to vector<256x8192xf32>
    %mul3A_43 = arith.mulf %mul3A_42, %dot_general3A_39 : vector<256x8192xf32>
    %sub3A = vector.broadcast %broadcast_in_dim3A : vector<256x1xf32> to vector<256x8192xf32>
    %sub3A_44 = arith.subf %sub3A, %mul3A_43 : vector<256x8192xf32>
    %get3A_45 = arith.constant 0 : index
    %get3A_46 = arith.constant 0 : index
    %get3A_47 = vector.load %arg11[%get3A_45, %get3A_46] : memref<1x8192xf32, #tpu.memory_space<vmem>>, vector<1x8192xf32>
    %add3A_48 = vector.broadcast %get3A_47 : vector<1x8192xf32> to vector<256x8192xf32>
    %add3A_49 = arith.addf %sub3A_44, %add3A_48 : vector<256x8192xf32>
    %reduce_min3A = arith.constant dense<0x7F800000> : vector<256xf32>
    %reduce_min3A_50 = vector.multi_reduction <minimumf>, %add3A_49, %reduce_min3A [1] : vector<256x8192xf32> to vector<256xf32>
    %broadcast_in_dim3A_51 = vector.shape_cast %reduce_min3A_50 : vector<256xf32> to vector<256x1xf32>
    %eq3A_52 = vector.broadcast %broadcast_in_dim3A_51 : vector<256x1xf32> to vector<256x8192xf32>
    %eq3A_53 = arith.cmpf oeq, %add3A_49, %eq3A_52 : vector<256x8192xf32>
    %get3A_54 = arith.constant 0 : index
    %get3A_55 = arith.constant 0 : index
    %get3A_56 = vector.load %arg12[%get3A_54, %get3A_55] : memref<1x8192xf32, #tpu.memory_space<vmem>>, vector<1x8192xf32>
    %jit3A = arith.constant 8.192000e+03 : f32
    %broadcast_in_dim3A_57 = vector.shape_cast %get3A_56 : vector<1x8192xf32> to vector<1x8192xf32>
    %broadcast_in_dim3A_58 = vector.broadcast %broadcast_in_dim3A_57 : vector<1x8192xf32> to vector<256x8192xf32>
    %broadcast_in_dim3A_59 = vector.broadcast %jit3A : f32 to vector<256x8192xf32>
    %select_n3A = arith.select %eq3A_53, %broadcast_in_dim3A_58, %broadcast_in_dim3A_59 : vector<256x8192xi1>, vector<256x8192xf32>
    %reduce_min3A_60 = arith.constant dense<0x7F800000> : vector<256xf32>
    %reduce_min3A_61 = vector.multi_reduction <minimumf>, %select_n3A, %reduce_min3A_60 [1] : vector<256x8192xf32> to vector<256xf32>
    %convert_element_type3A_62 = arith.fptosi %reduce_min3A_61 : vector<256xf32> to vector<256xi32>
    %reshape3A = vector.shape_cast %convert_element_type3A_62 : vector<256xi32> to vector<1x1x256xi32>
    %swap3A_63 = arith.constant 0 : index
    %swap3A_64 = arith.constant 0 : index
    %swap3A_65 = arith.constant 0 : index
    %swap3A_66 = vector.load %arg10[%swap3A_63, %swap3A_64, %swap3A_65] : memref<1x1x256xi32, #tpu.memory_space<vmem>>, vector<1x1x256xi32>
    tpu.vector_store %arg10[%swap3A_63, %swap3A_64, %swap3A_65], %reshape3A {strides = array<i32>} : memref<1x1x256xi32, #tpu.memory_space<vmem>>, vector<1x1x256xi32>,
    return
  }
  func.func @transform_0(%arg0: i32) -> (i32, i32) {
    %c0_i32 = arith.constant 0 : i32
    %c0_i32_0 = arith.constant 0 : i32
    return %arg0, %c0_i32 : i32, i32
  }
  func.func @transform_1(%arg0: i32) -> (i32, i32) {
    %c0_i32 = arith.constant 0 : i32
    %c0_i32_0 = arith.constant 0 : i32
    %c0_i32_1 = arith.constant 0 : i32
    return %c0_i32, %c0_i32_0 : i32, i32
  }
  func.func @transform_2(%arg0: i32) -> (i32, i32) {
    %c0_i32 = arith.constant 0 : i32
    %c0_i32_0 = arith.constant 0 : i32
    %c0_i32_1 = arith.constant 0 : i32
    return %c0_i32, %c0_i32_0 : i32, i32
  }
  func.func @transform_3(%arg0: i32) -> (i32, i32) {
    %c0_i32 = arith.constant 0 : i32
    %c0_i32_0 = arith.constant 0 : i32
    %c0_i32_1 = arith.constant 0 : i32
    return %c0_i32, %c0_i32_0 : i32, i32
  }
  func.func @transform_4(%arg0: i32) -> (i32, i32) {
    %c0_i32 = arith.constant 0 : i32
    %c0_i32_0 = arith.constant 0 : i32
    %c0_i32_1 = arith.constant 0 : i32
    return %c0_i32, %c0_i32_0 : i32, i32
  }
  func.func @transform_5(%arg0: i32) -> (i32, i32) {
    %c0_i32 = arith.constant 0 : i32
    %c0_i32_0 = arith.constant 0 : i32
    %c0_i32_1 = arith.constant 0 : i32
    return %c0_i32, %c0_i32_0 : i32, i32
  }
  func.func @transform_6(%arg0: i32) -> (i32, i32) {
    %c0_i32 = arith.constant 0 : i32
    %c0_i32_0 = arith.constant 0 : i32
    %c0_i32_1 = arith.constant 0 : i32
    return %c0_i32, %c0_i32_0 : i32, i32
  }
  func.func @transform_7(%arg0: i32) -> (i32, i32) {
    %c0_i32 = arith.constant 0 : i32
    %c0_i32_0 = arith.constant 0 : i32
    %c0_i32_1 = arith.constant 0 : i32
    return %c0_i32, %c0_i32_0 : i32, i32
  }
  func.func @transform_8(%arg0: i32) -> (i32, i32) {
    %c0_i32 = arith.constant 0 : i32
    %c0_i32_0 = arith.constant 0 : i32
    return %arg0, %c0_i32 : i32, i32
  }
  func.func @transform_9(%arg0: i32) -> (i32, i32, i32) {
    %c0_i32 = arith.constant 0 : i32
    %c0_i32_0 = arith.constant 0 : i32
    %c0_i32_1 = arith.constant 0 : i32
    return %arg0, %c0_i32, %c0_i32_0 : i32, i32, i32
  }
}

module attributes {stable_mosaic.version = 14 : i64} {
  func.func @_dec_body(%arg0: i32, %arg1: memref<256x256xf32, #tpu.memory_space<vmem>>, %arg2: memref<256x256xf32, #tpu.memory_space<vmem>>, %arg3: memref<256x1024xf32, #tpu.memory_space<vmem>>, %arg4: memref<1x1024xf32, #tpu.memory_space<vmem>>, %arg5: memref<1024x2048xf32, #tpu.memory_space<vmem>>, %arg6: memref<1x2048xf32, #tpu.memory_space<vmem>>, %arg7: memref<2048x1024xf32, #tpu.memory_space<vmem>>, %arg8: memref<1x1024xf32, #tpu.memory_space<vmem>>, %arg9: memref<256x1024xf32, #tpu.memory_space<vmem>>, %arg10: memref<1x1xf32, #tpu.memory_space<vmem>>) attributes {dimension_semantics = [#tpu.dimension_semantics<arbitrary>], iteration_bounds = array<i64: 16>, scalar_prefetch = 0 : i64, scratch_operands = 0 : i64, tpu.core_type = #tpu.core_type<tc>, window_params = [{transform_indices = @transform_0, window_bounds = array<i64: 256, 256>}, {transform_indices = @transform_1, window_bounds = array<i64: 256, 256>}, {pipeline_mode = #tpu.pipeline_mode<synchronous>, transform_indices = @transform_2, window_bounds = array<i64: 256, 1024>}, {pipeline_mode = #tpu.pipeline_mode<synchronous>, transform_indices = @transform_3, window_bounds = array<i64: 1, 1024>}, {pipeline_mode = #tpu.pipeline_mode<synchronous>, transform_indices = @transform_4, window_bounds = array<i64: 1024, 2048>}, {pipeline_mode = #tpu.pipeline_mode<synchronous>, transform_indices = @transform_5, window_bounds = array<i64: 1, 2048>}, {pipeline_mode = #tpu.pipeline_mode<synchronous>, transform_indices = @transform_6, window_bounds = array<i64: 2048, 1024>}, {pipeline_mode = #tpu.pipeline_mode<synchronous>, transform_indices = @transform_7, window_bounds = array<i64: 1, 1024>}, {transform_indices = @transform_8, window_bounds = array<i64: 256, 1024>}, {pipeline_mode = #tpu.pipeline_mode<synchronous>, transform_indices = @transform_9, window_bounds = array<i64: 1, 1>}]} {
    %get3A = arith.constant 0 : index
    %get3A_0 = arith.constant 0 : index
    %get3A_1 = vector.load %arg1[%get3A, %get3A_0] : memref<256x256xf32, #tpu.memory_space<vmem>>, vector<256x256xf32>
    %get3A_2 = arith.constant 0 : index
    %get3A_3 = arith.constant 0 : index
    %get3A_4 = vector.load %arg2[%get3A_2, %get3A_3] : memref<256x256xf32, #tpu.memory_space<vmem>>, vector<256x256xf32>
    %eq3A = arith.constant 0 : i32
    %eq3A_5 = arith.cmpi eq, %arg0, %eq3A : i32
    %convert_element_type3A = arith.extui %eq3A_5 : i1 to i32
    %cond3A = arith.constant 0 : i32
    %cond3A_6 = arith.cmpi ne, %convert_element_type3A, %cond3A : i32
    scf.if %cond3A_6 {
      %broadcast_in_dim3A = arith.constant 0.000000e+00 : f32
      %broadcast_in_dim3A_49 = vector.broadcast %broadcast_in_dim3A : f32 to vector<1x1xf32>
      %swap3A_50 = arith.constant 0 : index
      %swap3A_51 = arith.constant 0 : index
      %swap3A_52 = vector.load %arg10[%swap3A_50, %swap3A_51] : memref<1x1xf32, #tpu.memory_space<vmem>>, vector<1x1xf32>
      tpu.vector_store %arg10[%swap3A_50, %swap3A_51], %broadcast_in_dim3A_49 {strides = array<i32>} : memref<1x1xf32, #tpu.memory_space<vmem>>, vector<1x1xf32>,
    } else {
    }
    %sub3A = arith.subf %get3A_1, %get3A_4 : vector<256x256xf32>
    %get3A_7 = arith.constant 0 : index
    %get3A_8 = arith.constant 0 : index
    %get3A_9 = vector.load %arg10[%get3A_7, %get3A_8] : memref<1x1xf32, #tpu.memory_space<vmem>>, vector<1x1xf32>
    %mul3A = arith.mulf %sub3A, %sub3A : vector<256x256xf32>
    %reduce_sum3A = vector.shape_cast %mul3A : vector<256x256xf32> to vector<1x256x256xf32>
    %reduce_sum3A_10 = arith.constant dense<0.000000e+00> : vector<1xf32>
    %reduce_sum3A_11 = vector.multi_reduction <add>, %reduce_sum3A, %reduce_sum3A_10 [1, 2] : vector<1x256x256xf32> to vector<1xf32>
    %reduce_sum3A_12 = vector.shape_cast %reduce_sum3A_11 : vector<1xf32> to vector<1x1x1xf32>
    %reduce_sum3A_13 = vector.extract %reduce_sum3A_12[0, 0, 0] : f32 from vector<1x1x1xf32>
    %reshape3A = vector.broadcast %reduce_sum3A_13 : f32 to vector<1x1xf32>
    %add3A = arith.addf %get3A_9, %reshape3A : vector<1x1xf32>
    %swap3A = arith.constant 0 : index
    %swap3A_14 = arith.constant 0 : index
    %swap3A_15 = vector.load %arg10[%swap3A, %swap3A_14] : memref<1x1xf32, #tpu.memory_space<vmem>>, vector<1x1xf32>
    tpu.vector_store %arg10[%swap3A, %swap3A_14], %add3A {strides = array<i32>} : memref<1x1xf32, #tpu.memory_space<vmem>>, vector<1x1xf32>,
    %get3A_16 = arith.constant 0 : index
    %get3A_17 = arith.constant 0 : index
    %get3A_18 = vector.load %arg3[%get3A_16, %get3A_17] : memref<256x1024xf32, #tpu.memory_space<vmem>>, vector<256x1024xf32>
    %dot_general3A = arith.constant dense<0.000000e+00> : vector<256x1024xf32>
    %dot_general3A_19 = tpu.matmul %get3A_4, %get3A_18, %dot_general3A {dimension_numbers = #tpu.dot_dimension_numbers<[1], [0], [0], [1], [0, 0, 1, 1], [], []>, transpose_lhs_hint = false} : vector<256x256xf32>, vector<256x1024xf32>, vector<256x1024xf32> -> vector<256x1024xf32>
    %get3A_20 = arith.constant 0 : index
    %get3A_21 = arith.constant 0 : index
    %get3A_22 = vector.load %arg4[%get3A_20, %get3A_21] : memref<1x1024xf32, #tpu.memory_space<vmem>>, vector<1x1024xf32>
    %add3A_23 = vector.broadcast %get3A_22 : vector<1x1024xf32> to vector<256x1024xf32>
    %add3A_24 = arith.addf %dot_general3A_19, %add3A_23 : vector<256x1024xf32>
    %tanh3A = math.tanh %add3A_24 : vector<256x1024xf32>
    %get3A_25 = arith.constant 0 : index
    %get3A_26 = arith.constant 0 : index
    %get3A_27 = vector.load %arg5[%get3A_25, %get3A_26] : memref<1024x2048xf32, #tpu.memory_space<vmem>>, vector<1024x2048xf32>
    %dot_general3A_28 = arith.constant dense<0.000000e+00> : vector<256x2048xf32>
    %dot_general3A_29 = tpu.matmul %tanh3A, %get3A_27, %dot_general3A_28 {dimension_numbers = #tpu.dot_dimension_numbers<[1], [0], [0], [1], [0, 0, 1, 1], [], []>, transpose_lhs_hint = false} : vector<256x1024xf32>, vector<1024x2048xf32>, vector<256x2048xf32> -> vector<256x2048xf32>
    %get3A_30 = arith.constant 0 : index
    %get3A_31 = arith.constant 0 : index
    %get3A_32 = vector.load %arg6[%get3A_30, %get3A_31] : memref<1x2048xf32, #tpu.memory_space<vmem>>, vector<1x2048xf32>
    %add3A_33 = vector.broadcast %get3A_32 : vector<1x2048xf32> to vector<256x2048xf32>
    %add3A_34 = arith.addf %dot_general3A_29, %add3A_33 : vector<256x2048xf32>
    %tanh3A_35 = math.tanh %add3A_34 : vector<256x2048xf32>
    %get3A_36 = arith.constant 0 : index
    %get3A_37 = arith.constant 0 : index
    %get3A_38 = vector.load %arg7[%get3A_36, %get3A_37] : memref<2048x1024xf32, #tpu.memory_space<vmem>>, vector<2048x1024xf32>
    %dot_general3A_39 = arith.constant dense<0.000000e+00> : vector<256x1024xf32>
    %dot_general3A_40 = tpu.matmul %tanh3A_35, %get3A_38, %dot_general3A_39 {dimension_numbers = #tpu.dot_dimension_numbers<[1], [0], [0], [1], [0, 0, 1, 1], [], []>, transpose_lhs_hint = false} : vector<256x2048xf32>, vector<2048x1024xf32>, vector<256x1024xf32> -> vector<256x1024xf32>
    %get3A_41 = arith.constant 0 : index
    %get3A_42 = arith.constant 0 : index
    %get3A_43 = vector.load %arg8[%get3A_41, %get3A_42] : memref<1x1024xf32, #tpu.memory_space<vmem>>, vector<1x1024xf32>
    %add3A_44 = vector.broadcast %get3A_43 : vector<1x1024xf32> to vector<256x1024xf32>
    %add3A_45 = arith.addf %dot_general3A_40, %add3A_44 : vector<256x1024xf32>
    %swap3A_46 = arith.constant 0 : index
    %swap3A_47 = arith.constant 0 : index
    %swap3A_48 = vector.load %arg9[%swap3A_46, %swap3A_47] : memref<256x1024xf32, #tpu.memory_space<vmem>>, vector<256x1024xf32>
    tpu.vector_store %arg9[%swap3A_46, %swap3A_47], %add3A_45 {strides = array<i32>} : memref<256x1024xf32, #tpu.memory_space<vmem>>, vector<256x1024xf32>,
    return
  }
  func.func @transform_0(%arg0: i32) -> (i32, i32) {
    %c0_i32 = arith.constant 0 : i32
    %c0_i32_0 = arith.constant 0 : i32
    return %arg0, %c0_i32 : i32, i32
  }
  func.func @transform_1(%arg0: i32) -> (i32, i32) {
    %c0_i32 = arith.constant 0 : i32
    %c0_i32_0 = arith.constant 0 : i32
    return %arg0, %c0_i32 : i32, i32
  }
  func.func @transform_2(%arg0: i32) -> (i32, i32) {
    %c0_i32 = arith.constant 0 : i32
    %c0_i32_0 = arith.constant 0 : i32
    %c0_i32_1 = arith.constant 0 : i32
    return %c0_i32, %c0_i32_0 : i32, i32
  }
  func.func @transform_3(%arg0: i32) -> (i32, i32) {
    %c0_i32 = arith.constant 0 : i32
    %c0_i32_0 = arith.constant 0 : i32
    %c0_i32_1 = arith.constant 0 : i32
    return %c0_i32, %c0_i32_0 : i32, i32
  }
  func.func @transform_4(%arg0: i32) -> (i32, i32) {
    %c0_i32 = arith.constant 0 : i32
    %c0_i32_0 = arith.constant 0 : i32
    %c0_i32_1 = arith.constant 0 : i32
    return %c0_i32, %c0_i32_0 : i32, i32
  }
  func.func @transform_5(%arg0: i32) -> (i32, i32) {
    %c0_i32 = arith.constant 0 : i32
    %c0_i32_0 = arith.constant 0 : i32
    %c0_i32_1 = arith.constant 0 : i32
    return %c0_i32, %c0_i32_0 : i32, i32
  }
  func.func @transform_6(%arg0: i32) -> (i32, i32) {
    %c0_i32 = arith.constant 0 : i32
    %c0_i32_0 = arith.constant 0 : i32
    %c0_i32_1 = arith.constant 0 : i32
    return %c0_i32, %c0_i32_0 : i32, i32
  }
  func.func @transform_7(%arg0: i32) -> (i32, i32) {
    %c0_i32 = arith.constant 0 : i32
    %c0_i32_0 = arith.constant 0 : i32
    %c0_i32_1 = arith.constant 0 : i32
    return %c0_i32, %c0_i32_0 : i32, i32
  }
  func.func @transform_8(%arg0: i32) -> (i32, i32) {
    %c0_i32 = arith.constant 0 : i32
    %c0_i32_0 = arith.constant 0 : i32
    return %arg0, %c0_i32 : i32, i32
  }
  func.func @transform_9(%arg0: i32) -> (i32, i32) {
    %c0_i32 = arith.constant 0 : i32
    %c0_i32_0 = arith.constant 0 : i32
    %c0_i32_1 = arith.constant 0 : i32
    return %c0_i32, %c0_i32_0 : i32, i32
  }
}

</mosaic_0001>

<sc_bundles>
// kernel: kernel.5.cloned.1.call-start
scs
__scs_entry_jumppad:
0x0: {  	(pc) =	sbr.rel $0x88, $3  }
0x1: {  	(tag) =	ssettag $0x0;
	lr =	simm.s32 $0x1  }
0x2: {  	[smem:$0x3F93] =	sst lr;
	_ =	strace $0xD0000000  }
0x3: {  	_ = 	snop  }
0x4: {  	_ = 	snop  }
0x5: {  	_ = 	snop  }
0x6: {  	_ = 	snop  }
0x7: {  	_ = 	snop  }
__scs_overlays_trampoline_lowered:
0x8: {  	[smem:$0x3FA2] =	sst s0  }
0x9: {  	[smem:$0x3FA3] =	sst s1  }
0xa: {  	[smem:$0x3FA4] =	sst s2  }
0xb: {  	[smem:$0x3FA5] =	sst s3  }
0xc: {  	[smem:$0x3FA6] =	sst s4  }
0xd: {  	[smem:$0x3FA7] =	sst s5  }
0xe: {  	[smem:$0x3FA8] =	sst s6  }
0xf: {  	[smem:$0x3FA9] =	sst s7  }
0x10: {  	[smem:$0x3FAA] =	sst s8  }
0x11: {  	[smem:$0x3FAB] =	sst s9;
	s0 =	simm.s32 @!p0 $0x0  }
0x12: {  	s1 =	sld [smem:$0x3F91];
	s0 =	simm.s32 @p0 $0x1  }
0x13: {  	[smem:$0x3FAC] =	sst s0;
	s0 =	simm.s32 @!p1 $0x0  }
0x14: {  	s2 =	sld [smem:$0x3F90];
	s0 =	simm.s32 @p1 $0x1  }
0x15: {  	[smem:$0x3FAD] =	sst s0;
	s0 =	simm.s32 @!p2 $0x0  }
0x16: {  	s3 =	sld [smem:$0x3FDB];
	s0 =	simm.s32 @p2 $0x1  }
0x17: {  	s4 =	simm.s32 $0x1BF5;
	[smem:$0x3FAF] =	sst s0  }
0x18: {  	s0 =	sld [smem:$0x3F92];
	_ =	swait.ge [sflag:s4], $0x0  }
0x19: {  	s7 =	sld [smem:$0x3F93]  }
0x1a: {  	s8 =	sadd.s32 $0xFFFFE003, lr  }
0x1b: {  	s9 =	sadd.s32 $0xFFFFFEF7, lr;
	s5 =	simm.s32 $0xFFFFFFFF;
	p2 =	slt.u32 s8, $0xFFFFF086  }
0x1c: {  	p1 =	slt.u32 s9, $0xF7A;
	s5 =	simm.s32 @!p2 $0x0  }
0x1d: {  	s5 =	simm.s32 @p1 $0x1;
	p0 =	seq.s32 s7, s2  }
0x1e: {  	s7 =	smul.u32 @!p0 $0xF7A, s2;
	p2 =	seq.s32 @!p0 s5, $0x0  }
0x1f: {  	s9 =	smul.u32 $0xF7A, s1;
	s8 =	simm.s32 @!p0 $0x1BF5;
	p2 =	por !p2, p0  }
0x20: {  	[sflag:s8] =	ssyncset.s32 @!p0 $0xFFFFF086;
	s6 =	sadd.s32 @!p0 s3, s7;
	s7 =	simm.s32 @!p0 $0x108  }
0x21: {  	s3 =	sadd.s32 s3, s9;
	s6 =	sadd.s32 @!p0 $0x88, s6;
	s7 =	simm.s32 @p2 $0x1082  }
0x22: {  	[simem:s7], [sflag:s8] =	dma.local @!p0 [hbm:s6], $0xF7A  }
0x23: {  	s9 =	sor.u32 $0xD0000000, s2;
	s6 =	simm.s32 $0x108;
	_ =	swait.ge @!p0 [sflag:s8], $0x0  }
0x24: {  	s3 =	sadd.s32 $0x88, s3;
	s6 =	simm.s32 @!p1 $0x1082;
	[sflag:s4] =	ssyncset.s32 $0xFFFFF086  }
0x25: {  	[simem:s6], [sflag:s4] =	dma.local [hbm:s3], $0xF7A  }
0x26: {  	[smem:$0x3F93] =	sst s1;
	(tag) =	ssettag s2;
	_ =	strace s9  }
0x27: {  	s1 =	sld [smem:$0x3FA3]  }
0x28: {  	s2 =	sld [smem:$0x3FA4]  }
0x29: {  	s4 =	sld [smem:$0x3FA6]  }
0x2a: {  	p0 =	seq.s32 s5, $0x0;
	s5 =	sld [smem:$0x3FA7]  }
0x2b: {  	s6 =	sld [smem:$0x3FA8]  }
0x2c: {  	s7 =	sld [smem:$0x3FA9]  }
0x2d: {  	s3 =	simm.s32 $0x108;
	s8 =	sld [smem:$0x3FAA]  }
0x2e: {  	s3 =	simm.s32 @!p0 $0x1082;
	s9 =	sld [smem:$0x3FAB]  }
0x2f: {  	lr =	sadd.s32 s0, s3;
	s0 =	sld [smem:$0x3FA2]  }
0x30: {  	s3 =	sld [smem:$0x3FA5]  }
0x31: {  	[smem:$0x3FAE] =	sst s10  }
0x32: {  	s10 =	sld [smem:$0x3FAC];
	_ =	sdelay $0x3  }
0x33: {  	p0 =	seq.s32 s10, $0x1;
	s10 =	sld [smem:$0x3FAE];
	_ =	sdelay $0x3  }
0x34: {  	[smem:$0x3FAE] =	sst s10  }
0x35: {  	s10 =	sld [smem:$0x3FAD];
	_ =	sdelay $0x3  }
0x36: {  	p1 =	seq.s32 s10, $0x1;
	s10 =	sld [smem:$0x3FAE];
	_ =	sdelay $0x3  }
0x37: {  	[smem:$0x3FAE] =	sst s10  }
0x38: {  	s10 =	sld [smem:$0x3FAF]  }
0x39: {  	_ = 	snop;
	(pc) =	sbr.ind lr, $3  }
0x3a: {  	_ = 	snop  }
0x3b: {  	_ = 	snop  }
0x3c: {  	p2 =	seq.s32 s10, $0x1;
	s10 =	sld [smem:$0x3FAE]  }
0x3d: {  	_ =	shalt  }
0x3e: {  	_ =	shalt  }
0x3f: {  	_ =	shalt  }
0x40: {  	_ =	shalt  }
0x41: {  	_ =	shalt  }
0x42: {  	_ =	shalt  }
0x43: {  	_ =	shalt  }
0x44: {  	_ =	shalt  }
0x45: {  	_ =	shalt  }
0x46: {  	_ =	shalt  }
0x47: {  	_ =	shalt  }
0x48: {  	_ =	shalt  }
0x49: {  	_ =	shalt  }
0x4a: {  	_ =	shalt  }
0x4b: {  	_ =	shalt  }
0x4c: {  	_ =	shalt  }
0x4d: {  	_ =	shalt  }
0x4e: {  	_ =	shalt  }
0x4f: {  	_ =	shalt  }
0x50: {  	_ =	shalt  }
0x51: {  	_ =	shalt  }
0x52: {  	_ =	shalt  }
0x53: {  	_ =	shalt  }
0x54: {  	_ =	shalt  }
0x55: {  	_ =	shalt  }
0x56: {  	_ =	shalt  }
0x57: {  	_ =	shalt  }
0x58: {  	_ =	shalt  }
0x59: {  	_ =	shalt  }
0x5a: {  	_ =	shalt  }
0x5b: {  	_ =	shalt  }
0x5c: {  	_ =	shalt  }
0x5d: {  	_ =	shalt  }
0x5e: {  	_ =	shalt  }
0x5f: {  	_ =	shalt  }
0x60: {  	_ =	shalt  }
0x61: {  	_ =	shalt  }
0x62: {  	_ =	shalt  }
0x63: {  	_ =	shalt  }
0x64: {  	_ =	shalt  }
0x65: {  	_ =	shalt  }
0x66: {  	_ =	shalt  }
0x67: {  	_ =	shalt  }
0x68: {  	_ =	shalt  }
0x69: {  	_ =	shalt  }
0x6a: {  	_ =	shalt  }
0x6b: {  	_ =	shalt  }
0x6c: {  	_ =	shalt  }
0x6d: {  	_ =	shalt  }
0x6e: {  	_ =	shalt  }
0x6f: {  	_ =	shalt  }
0x70: {  	_ =	shalt  }
0x71: {  	_ =	shalt  }
0x72: {  	_ =	shalt  }
0x73: {  	_ =	shalt  }
0x74: {  	_ =	shalt  }
0x75: {  	_ =	shalt  }
0x76: {  	_ =	shalt  }
0x77: {  	_ =	shalt  }
0x78: {  	_ =	shalt  }
0x79: {  	_ =	shalt  }
0x7a: {  	_ =	shalt  }
0x7b: {  	_ =	shalt  }
0x7c: {  	_ =	shalt  }
0x7d: {  	_ =	shalt  }
0x7e: {  	_ =	shalt  }
0x7f: {  	_ =	shalt  }
0x80: {  	_ =	shalt  }
0x81: {  	_ =	shalt  }
0x82: {  	_ =	shalt  }
0x83: {  	_ =	shalt  }
0x84: {  	_ =	shalt  }
0x85: {  	_ =	shalt  }
0x86: {  	_ =	shalt  }
0x87: {  	_ =	shalt  }
.Lfunc_end0:
.L_simem_size_0:
called_computation_lowered:
.L_overlay_start_0:
0x88: {  	s2 =	sld [smem:$0x3FD9]  }
0x89: {  	s3 =	sld [smem:$0x3FFE];
	_ =	sdelay $0x1  }
0x8a: {  	s1 =	srdreg.scid  }
0x8b: {  	s0 =	sand.u32 $0x1, s1  }
0x8c: {  	s15 =	sshll.u32 s0, $0xA;
	s2 =	sadd.s32 s3, s2  }
0x8d: {  	s2 =	sadd.s32 s2, s15  }
0x8e: {  	[smem:$0x3FBA] =	sst s2  }
0x8f: {  	_ = 	snop  }
0x90: {  	s2 =	sld [smem:$0x3FD0];
	_ =	sdelay $0x2  }
0x91: {  	s4 =	simm.s32 $0xA;
	s5 =	simm.s32 $0x10;
	s16 =	sld [smem:$0x3FC2]  }
0x92: {  	[smem:s5], [sflag:s4] =	dma.local [hbm:s2], $0x1  }
0x93: {  	_ =	swait.eq [sflag:s4], $0x1  }
0x94: {  	[sflag:s4] =	ssyncset.done $0x0  }
0x95: {  	s17 =	sld [smem:$0x10];
	[sflag:s4] =	ssyncadd.s32 $0xFFFFFFFF  }
0x96: {  	s18 =	sld [smem:$0x12];
	(tm) =	ssettm $0x1  }
0x97: {  	s19 =	sld [smem:$0x3FFB];
	_ =	sdelay $0x3  }
0x98: {  	_ =	strace s19  }
0x99: {  	s5 =	sld [smem:$0x3FFC];
	_ =	sdelay $0x3  }
0x9a: {  	_ =	strace s5  }
0x9b: {  	s5 =	sld [smem:$0x3FFD];
	_ =	sdelay $0x3  }
0x9c: {  	_ =	strace s5  }
0x9d: {  	_ =	strace $0x8FFFFFFF  }
0x9e: {  	s20 =	sld [smem:$0x3FDB];
	_ =	sdelay $0x1  }
0x9f: {  	s6 =	simm.s32 $_scs_section_size  }
0xa0: {  	s7 =	simm.s32 $_size__tile_overlayer_lowered;
	s8 =	simm.s32 $_tile_overlayer_lowered  }
0xa1: {  	s23 =	simm.s32 $0x1BFF;
	s22 =	sshll.u32 s8, $0x1;
	s5 =	sadd.s32 s6, s20  }
0xa2: {  	s9 =	simm.s32 $0x0;
	s21 =	sshll.u32 s7, $0x1;
	s7 =	sadd.s32 s22, s5  }
0xa3: {  	[timem:s9], [sflag:s23] =	dma.local [hbm:s7], s21  }
0xa4: {  	_ =	swait.ge [sflag:s23], s21  }
0xa5: {  	s6 =	ssub.s32 $0x0, s21;
	[sflag:s23] =	ssyncset.done $0x0  }
0xa6: {  	[sflag:s23] =	ssyncadd.s32 s6;
	_ =	sdelay $0x1  }
0xa7: {  	s24 =	simm.s32 $0x1B8B  }
0xa8: {  	_ =	swait.ge [sflag:s24], $0x1  }
0xa9: {  	[sflag:s24] =	ssyncset.done $0x0  }
0xaa: {  	s25 =	simm.s32 $0x1B8E;
	[sflag:s24] =	ssyncadd.s32 $0xFFFFFFFF  }
0xab: {  	s26 =	simm.s32 $execute0_lowered;
	[smem:$0x3FD2] =	sst s25  }
0xac: {  	s6 =	sshll.u32 s26, $0x1;
	_ =	strace $0x80000046;
	[dreg:$0x1] =	wrdreg $0xFFFFFFFF  }
0xad: {  	s28 =	simm.s32 $_size_execute0_lowered;
	s5 =	sadd.s32 s5, s6;
	[dreg:$0x0] =	wrdreg $0x0  }
0xae: {  	s6 =	sshll.u32 s28, $0x1;
	[dreg:$0x2] =	wrdreg s5  }
0xaf: {  	[dreg:$0x3] =	wrdreg s6  }
0xb0: {  	[dreg:$0x4] =	wrdreg $0xC0  }
0xb1: {  	_ =	task [dreg:s9], $0x5FFFF  }
0xb2: {  	[dreg:$0x1] =	wrdreg $0xFFFFFFFF  }
0xb3: {  	[dreg:$0x0] =	wrdreg $0x60  }
0xb4: {  	[dreg:$0x2] =	wrdreg s16  }
0xb5: {  	[dreg:$0x3] =	wrdreg s17  }
0xb6: {  	[dreg:$0x4] =	wrdreg s18  }
0xb7: {  	[dreg:$0x5] =	wrdreg $0x9  }
0xb8: {  	_ =	task.clear_ibuf [dreg:s9], $0x6FFFF;
	_ =	strace $0x90000046  }
0xb9: {  	s29 =	simm.s32 $0x9;
	_ =	strace $0x80000048  }
0xba: {  	_ =	swait.ge [sflag:s29], $0x1  }
0xbb: {  	[sflag:s29] =	ssyncadd.s32 $0xFFFFFFFF  }
0xbc: {  	_ =	strace $0x90000048  }
0xbd: {  	_ =	sfence  }
0xbe: {  	s30 =	sld [smem:$0x0];
	_ =	sdelay $0x2  }
0xbf: {  	s31 =	sshll.u32 s1, $0xD;
	s1 =	sshrl.u32 s1, $0x2  }
0xc0: {  	s3 =	sand.u32 $0x4000, s31;
	s1 =	sadd.s32 s1, s30  }
0xc1: {  	s0 =	sor.u32 s3, s0;
	s1 =	sshll.u32 s1, $0x11  }
0xc2: {  	s0 =	sor.u32 s1, s0  }
0xc3: {  	s0 =	sadd.s32 $0x8F2B, s0  }
0xc4: {  	[sflag:s0] =	ssyncadd.remote.s32 $0x1  }
0xc5: {  	_ =	sfence.sel $0xFFFF  }
0xc6: {  	[dreg:$0x0] =	wrdreg $0xFFFFFFFF;
	(pc) =	sbr.abs _section_cstart, $3  }
0xc7: {  	[dreg:$0x1] =	wrdreg $0xFFFFFFFF  }
0xc8: {  	_ =	task.clear_ibuf [dreg:s9], $0x2FFFF;
	_ =	strace $0x9FFFFFFF  }
0xc9: {  	(tm) =	ssettm $0x7FFFFFFF  }
tec
execute0_lowered:
.L_overlay_start_1:
0x0: {  	(tag) =	ssettag $0x1  }
0x1: {  	s1 =	rddreg [dreg:$0x0]  }
0x2: {  	s4 =	rddreg [dreg:$0x1]  }
0x3: {  	s5 =	rddreg [dreg:$0x2]  }
0x4: {  	s0 =	rddreg [dreg:$0x3];
	s3 =	simm.s32 $0x0;
	s6 =	srdreg.scid  }
0x5: {  	s2 =	stileid.u32;
	s10 =	simm.s32 $0x1080;
	s11 =	simm.s32 $0x1880  }
0x6: {  	s12 =	simm.s32 $0x2080;
	s13 =	simm.s32 $0x2880;
	s14 =	simm.s32 $0x3080  }
0x7: {  	s15 =	simm.s32 $0x3880;
	s16 =	simm.s32 $0x4080;
	s17 =	simm.s32 $0x4880  }
0x8: {  	s18 =	simm.s32 $0x5080;
	s19 =	simm.s32 $0x5880;
	s20 =	simm.s32 $0x6080  }
0x9: {  	s21 =	simm.s32 $0x6880;
	s22 =	simm.s32 $0x7080;
	s23 =	simm.s32 $0x7880  }
0xa: {  	s24 =	simm.s32 $0x1;
	[smem:$0x7FF] =	sst s3;
	s6 =	sand.u32 $0x1, s6  }
0xb: {  	s8 =	sshll.u32 s2, $0x8;
	s7 =	ssub.s32 $0x2, s6;
	s6 =	sshll.u32 s6, $0x7  }
0xc: {  	_ =	strace $0x80000047;
	s9 =	sshrl.u32 s7, $0x1;
	s6 =	sor.u32 s6, s8  }
0xd: {  	v2 =	vlaneseq.u32;
	s7 =	ssub.s32 s7, s9;
	s8 =	sshrl.u32 s6, $0x3;
	s6 =	sshll.u32 s6, $0x5  }
0xe: {  	vm0 =	vmmov $0xffff;
	v1 =	vshrl.u32 v2, $0x3;
	s9 =	simm.s32 $0x880;
	s4 =	sadd.s32 s4, s8;
	s5 =	sadd.s32 s5, s6  }
0xf: {  	v0 =	vand.u32 $0x7, v2;
	v2 =	vor.u32 $0x8, v2;
	v1 =	vmul.u32 $0x8, v1;
	s6 =	smax.u32 s7, $0x1;
	s7 =	simm.s32 $0x2;
	s8 =	simm.s32 $0x80  }
.LBB2_1:
0x10: {  	[tilespmem:s3], [sflag:$0x2] =	stream.linear.gather [hbm4b:s4+s3], $0x80, $0x38;
	[tilespmem:$0x8080] =	vst v63  }
0x11: {  	_ =	swait.ge [sflag:s7], $0x80  }
0x12: {  	[sflag:s7] =	ssyncset.done $0x0  }
0x13: {  	[sflag:s7] =	ssyncadd.s32 $0xFFFFFF80  }
0x14: {  	v3 =	vld [tilespmem:$0x0];
	_ =	sdelay $0x4  }
0x15: {  	v4 =	vshll.u32 v3, $0x1  }
0x16: {  	v3 =	vand.u32 $0x7, v3;
	v4 =	vand.u32 $0xFFFFFFF0, v4  }
0x17: {  	v3 =	vor.u32 v3, v4  }
0x18: {  	v4 =	vperm.xlane v3, v0;
	_ =	sdelay $0x1  }
0x19: {  	v3 =	vperm.xlane v3, v2;
	v4 =	vadd.s32 v1, v4;
	_ =	sdelay $0x1  }
0x1a: {  	v3 =	vadd.s32 v1, v3;
	_ =	sdelay $0x2  }
0x1b: {  	[tilespmem:s8], [sflag:$0x1] =	stream.indirect_vreg.gather [hbm4b:s1+s3], $0x80, v4, vm0, $0xb8;
	[tilespmem:$0x8080] =	vst v63  }
0x1c: {  	_ = 	snop  }
0x1d: {  	[tilespmem:s9], [sflag:$0x1] =	stream.indirect_vreg.gather [hbm4b:s1+s3], $0x80, v3, vm0, $0xb8;
	[tilespmem:$0x8080] =	vst v63  }
0x1e: {  	v3 =	vld [tilespmem:$0x10];
	_ =	sdelay $0x4  }
0x1f: {  	v57 =	vshll.u32 v3, $0x1  }
0x20: {  	v3 =	vand.u32 $0x7, v3;
	v4 =	vand.u32 $0xFFFFFFF0, v57  }
0x21: {  	v3 =	vor.u32 v3, v4  }
0x22: {  	v4 =	vperm.xlane v3, v0;
	_ =	sdelay $0x1  }
0x23: {  	v3 =	vperm.xlane v3, v2;
	v4 =	vadd.s32 v1, v4;
	_ =	sdelay $0x1  }
0x24: {  	v3 =	vadd.s32 v1, v3;
	_ =	sdelay $0x2  }
0x25: {  	[tilespmem:s10], [sflag:$0x1] =	stream.indirect_vreg.gather [hbm4b:s1+s3], $0x80, v4, vm0, $0xb8;
	[tilespmem:$0x8080] =	vst v63  }
0x26: {  	_ = 	snop  }
0x27: {  	[tilespmem:s11], [sflag:$0x1] =	stream.indirect_vreg.gather [hbm4b:s1+s3], $0x80, v3, vm0, $0xb8;
	[tilespmem:$0x8080] =	vst v63  }
0x28: {  	v3 =	vld [tilespmem:$0x20];
	_ =	sdelay $0x4  }
0x29: {  	v58 =	vshll.u32 v3, $0x1  }
0x2a: {  	v3 =	vand.u32 $0x7, v3;
	v4 =	vand.u32 $0xFFFFFFF0, v58  }
0x2b: {  	v3 =	vor.u32 v3, v4  }
0x2c: {  	v4 =	vperm.xlane v3, v0;
	_ =	sdelay $0x1  }
0x2d: {  	v3 =	vperm.xlane v3, v2;
	v4 =	vadd.s32 v1, v4;
	_ =	sdelay $0x1  }
0x2e: {  	v3 =	vadd.s32 v1, v3;
	_ =	sdelay $0x2  }
0x2f: {  	[tilespmem:s12], [sflag:$0x1] =	stream.indirect_vreg.gather [hbm4b:s1+s3], $0x80, v4, vm0, $0xb8;
	[tilespmem:$0x8080] =	vst v63  }
0x30: {  	_ = 	snop  }
0x31: {  	[tilespmem:s13], [sflag:$0x1] =	stream.indirect_vreg.gather [hbm4b:s1+s3], $0x80, v3, vm0, $0xb8;
	[tilespmem:$0x8080] =	vst v63  }
0x32: {  	v3 =	vld [tilespmem:$0x30];
	_ =	sdelay $0x4  }
0x33: {  	v59 =	vshll.u32 v3, $0x1  }
0x34: {  	v3 =	vand.u32 $0x7, v3;
	v4 =	vand.u32 $0xFFFFFFF0, v59  }
0x35: {  	v3 =	vor.u32 v3, v4  }
0x36: {  	v4 =	vperm.xlane v3, v0;
	_ =	sdelay $0x1  }
0x37: {  	v3 =	vperm.xlane v3, v2;
	v4 =	vadd.s32 v1, v4;
	_ =	sdelay $0x1  }
0x38: {  	v3 =	vadd.s32 v1, v3;
	_ =	sdelay $0x2  }
0x39: {  	[tilespmem:s14], [sflag:$0x1] =	stream.indirect_vreg.gather [hbm4b:s1+s3], $0x80, v4, vm0, $0xb8;
	[tilespmem:$0x8080] =	vst v63  }
0x3a: {  	_ = 	snop  }
0x3b: {  	[tilespmem:s15], [sflag:$0x1] =	stream.indirect_vreg.gather [hbm4b:s1+s3], $0x80, v3, vm0, $0xb8;
	[tilespmem:$0x8080] =	vst v63  }
0x3c: {  	v3 =	vld [tilespmem:$0x40];
	_ =	sdelay $0x4  }
0x3d: {  	v60 =	vshll.u32 v3, $0x1  }
0x3e: {  	v3 =	vand.u32 $0x7, v3;
	v4 =	vand.u32 $0xFFFFFFF0, v60  }
0x3f: {  	v3 =	vor.u32 v3, v4  }
0x40: {  	v4 =	vperm.xlane v3, v0;
	_ =	sdelay $0x1  }
0x41: {  	v3 =	vperm.xlane v3, v2;
	v4 =	vadd.s32 v1, v4;
	_ =	sdelay $0x1  }
0x42: {  	v3 =	vadd.s32 v1, v3;
	_ =	sdelay $0x2  }
0x43: {  	[tilespmem:s16], [sflag:$0x1] =	stream.indirect_vreg.gather [hbm4b:s1+s3], $0x80, v4, vm0, $0xb8;
	[tilespmem:$0x8080] =	vst v63  }
0x44: {  	_ = 	snop  }
0x45: {  	[tilespmem:s17], [sflag:$0x1] =	stream.indirect_vreg.gather [hbm4b:s1+s3], $0x80, v3, vm0, $0xb8;
	[tilespmem:$0x8080] =	vst v63  }
0x46: {  	v3 =	vld [tilespmem:$0x50];
	_ =	sdelay $0x4  }
0x47: {  	v61 =	vshll.u32 v3, $0x1  }
0x48: {  	v3 =	vand.u32 $0x7, v3;
	v4 =	vand.u32 $0xFFFFFFF0, v61  }
0x49: {  	v3 =	vor.u32 v3, v4  }
0x4a: {  	v4 =	vperm.xlane v3, v0;
	_ =	sdelay $0x1  }
0x4b: {  	v3 =	vperm.xlane v3, v2;
	v4 =	vadd.s32 v1, v4;
	_ =	sdelay $0x1  }
0x4c: {  	v3 =	vadd.s32 v1, v3;
	_ =	sdelay $0x2  }
0x4d: {  	[tilespmem:s18], [sflag:$0x1] =	stream.indirect_vreg.gather [hbm4b:s1+s3], $0x80, v4, vm0, $0xb8;
	[tilespmem:$0x8080] =	vst v63  }
0x4e: {  	_ = 	snop  }
0x4f: {  	[tilespmem:s19], [sflag:$0x1] =	stream.indirect_vreg.gather [hbm4b:s1+s3], $0x80, v3, vm0, $0xb8;
	[tilespmem:$0x8080] =	vst v63  }
0x50: {  	v3 =	vld [tilespmem:$0x60];
	_ =	sdelay $0x4  }
0x51: {  	v62 =	vshll.u32 v3, $0x1  }
0x52: {  	v3 =	vand.u32 $0x7, v3;
	v4 =	vand.u32 $0xFFFFFFF0, v62  }
0x53: {  	v3 =	vor.u32 v3, v4  }
0x54: {  	v4 =	vperm.xlane v3, v0;
	_ =	sdelay $0x1  }
0x55: {  	v3 =	vperm.xlane v3, v2;
	v4 =	vadd.s32 v1, v4;
	_ =	sdelay $0x1  }
0x56: {  	v3 =	vadd.s32 v1, v3;
	_ =	sdelay $0x2  }
0x57: {  	[tilespmem:s20], [sflag:$0x1] =	stream.indirect_vreg.gather [hbm4b:s1+s3], $0x80, v4, vm0, $0xb8;
	[tilespmem:$0x8080] =	vst v63  }
0x58: {  	_ = 	snop  }
0x59: {  	[tilespmem:s21], [sflag:$0x1] =	stream.indirect_vreg.gather [hbm4b:s1+s3], $0x80, v3, vm0, $0xb8;
	[tilespmem:$0x8080] =	vst v63  }
0x5a: {  	v3 =	vld [tilespmem:$0x70];
	_ =	sdelay $0x4  }
0x5b: {  	v63 =	vshll.u32 v3, $0x1  }
0x5c: {  	v3 =	vand.u32 $0x7, v3;
	v4 =	vand.u32 $0xFFFFFFF0, v63  }
0x5d: {  	v3 =	vor.u32 v3, v4  }
0x5e: {  	v4 =	vperm.xlane v3, v0;
	_ =	sdelay $0x1  }
0x5f: {  	v3 =	vperm.xlane v3, v2;
	v4 =	vadd.s32 v1, v4;
	_ =	sdelay $0x1  }
0x60: {  	v3 =	vadd.s32 v1, v3;
	_ =	sdelay $0x2  }
0x61: {  	[tilespmem:s22], [sflag:$0x1] =	stream.indirect_vreg.gather [hbm4b:s1+s3], $0x80, v4, vm0, $0xb8;
	[tilespmem:$0x8080] =	vst v63  }
0x62: {  	_ = 	snop  }
0x63: {  	[tilespmem:s23], [sflag:$0x1] =	stream.indirect_vreg.gather [hbm4b:s1+s3], $0x80, v3, vm0, $0xb8;
	[tilespmem:$0x8080] =	vst v63  }
0x64: {  	_ =	swait.ge [sflag:s24], $0x8000  }
0x65: {  	p0 =	sne.s32 s6, $0x1;
	[sflag:s24] =	ssyncset.done $0x0  }
.Ltmp0:
0x66: {  	[sflag:s24] =	ssyncadd.s32 $0xFFFF8000;
	(pc) =	sbr.rel @p0 .LBB2_1-.Ltmp0, $4  }
0x67: {  	[hbm4b:s5+s3] =	stream.linear.scatter [tilespmem:s8], [sflag:$0x2], $0x8000, $0x38;
	[tilespmem:$0x8080] =	vst v63  }
0x68: {  	_ =	swait.ge [sflag:s7], $0x8000  }
0x69: {  	[sflag:s7] =	ssyncset.done $0x0  }
0x6a: {  	s6 =	sadd.s32 $0xFFFFFFFF, s6;
	[sflag:s7] =	ssyncadd.s32 $0xFFFF8000  }
0x6b: {  	_ =	sfence.sel $0x180000  }
0x6c: {  	[bflag:$0x0] =	sbarrier.arrive $0xFFFF  }
0x6d: {  	p0 =	sne.s32 s2, $0x0;
	_ =	strace $0x90000047  }
0x6e: {  	s0 =	sadd.s32 @!p0 $0x100000, s0;
	[bflag:$0x2] =	sbarrier.arrive $0xFFFF  }
0x6f: {  	[sflag:s0] =	ssyncadd.tile.s32 @!p0 $0x1;
	_ =	shalt  }
.Lfunc_end2:
_tile_overlayer_lowered:
.L_overlay_start_2:
0x70: {  	(tag) =	ssettag $0x2  }
0x71: {  	s0 =	rddreg [dreg:$0x0];
	s2 =	stileid.u32  }
0x72: {  	s1 =	rddreg [dreg:$0x1];
	p0 =	sne.s32 s2, $0x0  }
0x73: {  	s3 =	rddreg [dreg:$0x2];
	[bflag:$0x3] =	sbarrier.arrive $0xFFFF;
	s2 =	simm.s32 @!p0 $0x1C02  }
0x74: {  	[timem:s3], [sflag:s2] =	dma.local @!p0 [hbm:s0], s1  }
0x75: {  	s0 =	simm.s32 @!p0 $0x2  }
0x76: {  	_ =	swait.ge @!p0 [sflag:s0], s1  }
0x77: {  	s1 =	ssub.s32 @!p0 $0x0, s1;
	[sflag:s0] =	ssyncset.done @!p0 $0x0  }
0x78: {  	[sflag:s0] =	ssyncadd.s32 @!p0 s1  }
0x79: {  	[bflag:$0x3] =	sbarrier.arrive $0xFFFF  }
0x7a: {  	_ =	shalt  }

</sc_bundles>
